<compile_context>
chip_gen: v7x
topology: tpu7x:2x2x1
jax: 0.10.2.dev20260603
libtpu: 0.0.44.dev20260713+nightly
codegen_flags: <defaults>
</compile_context>

<pallas_src>
import functools

import jax
import jax.numpy as jnp
from jax import lax
from jax.experimental import pallas as pl
from jax.experimental.pallas import tpu as pltpu
from jax.experimental.pallas import tpu_sc as plsc

B, N, DIM_EMBED = 8, 576, 384
DIM = 32
HEADS = 2
K = 8192
DIM_MEM = 32

TOKENS = B * N
T_BLK = 384

SC_CORES = 2
SC_SUBCORES = 16
SC_WORKERS = SC_CORES * SC_SUBCORES
GATHER_CHUNK = 72


def _tc_idx_body(x_ref, rp_ref, cb_ref, cbn_ref, idx_ref):
    xb = x_ref[...]
    outs = []
    for h in range(HEADS):
        rp = rp_ref[h]
        cb = cb_ref[h]
        xp = jnp.dot(xb, rp)
        xp2 = jnp.sum(xp * xp, axis=-1, keepdims=True)
        dotn = lax.dot_general(xp * -2.0, cb, (((1,), (1,)), ((), ())))
        d2 = xp2 + dotn + cbn_ref[h][None, :]
        am = jnp.argmin(d2, axis=-1).astype(jnp.int32)
        outs.append(am + h * K)
    idx_ref[...] = jnp.stack(outs)[None]


def _tc_indices(xf, rand_proj, codebook, cbn, tokens):
    g = tokens // T_BLK
    return pl.pallas_call(
        _tc_idx_body,
        grid=(g,),
        in_specs=[
            pl.BlockSpec((T_BLK, DIM_EMBED), lambda i: (i, 0)),
            pl.BlockSpec((HEADS, DIM_EMBED, DIM), lambda i: (0, 0, 0)),
            pl.BlockSpec((HEADS, K, DIM), lambda i: (0, 0, 0)),
            pl.BlockSpec((HEADS, K), lambda i: (0, 0)),
        ],
        out_specs=pl.BlockSpec((1, HEADS, T_BLK), lambda i: (i, 0, 0)),
        out_shape=jax.ShapeDtypeStruct((g, HEADS, T_BLK), jnp.int32),
    )(xf, rand_proj, codebook, cbn)


def _make_sc_gather_mean(tokens):
    tok_per_w = tokens // SC_WORKERS
    n_chunks = tok_per_w // GATHER_CHUNK

    @functools.partial(
        pl.kernel,
        mesh=plsc.VectorSubcoreMesh(core_axis_name="c", subcore_axis_name="s"),
        compiler_params=pltpu.CompilerParams(use_tc_tiling_on_sc=False),
        out_type=jax.ShapeDtypeStruct((tokens, DIM_MEM), jnp.float32),
        scratch_types=[
            pltpu.VMEM((n_chunks, GATHER_CHUNK), jnp.int32),
            pltpu.VMEM((n_chunks, GATHER_CHUNK), jnp.int32),
            pltpu.VMEM((tok_per_w, DIM_MEM), jnp.float32),
            pltpu.VMEM((tok_per_w, DIM_MEM), jnp.float32),
            pltpu.SemaphoreType.DMA,
        ],
    )
    def sc_gather_mean(vals_hbm, idx0_hbm, idx1_hbm, out_hbm,
                       i0_v, i1_v, r0_v, r1_v, sem):
        wid = lax.axis_index("s") * SC_CORES + lax.axis_index("c")
        base = wid * tok_per_w
        ic0 = pltpu.async_copy(idx0_hbm.at[wid], i0_v, sem)
        ic1 = pltpu.async_copy(idx1_hbm.at[wid], i1_v, sem)
        ic0.wait()
        ic1.wait()
        copies = []
        for j in range(n_chunks):
            sl = pl.ds(j * GATHER_CHUNK, GATHER_CHUNK)
            copies.append(pltpu.async_copy(vals_hbm.at[i0_v.at[j]], r0_v.at[sl], sem))
            copies.append(pltpu.async_copy(vals_hbm.at[i1_v.at[j]], r1_v.at[sl], sem))
        for c in copies:
            c.wait()

        def body(t, carry):
            for u in range(4):
                for j in range(DIM_MEM // 16):
                    sl = pl.ds(j * 16, 16)
                    r0_v[t * 4 + u, sl] = (r0_v[t * 4 + u, sl]
                                           + r1_v[t * 4 + u, sl]) * 0.5
            return carry

        lax.fori_loop(0, tok_per_w // 4, body, 0)
        pltpu.sync_copy(r0_v, out_hbm.at[pl.ds(base, tok_per_w)])

    return sc_gather_mean


def kernel(x, rand_proj, values, codebook):
    xf = x.reshape(TOKENS, DIM_EMBED)
    cbn = jnp.sum(codebook * codebook, axis=-1)
    vals_flat = values.reshape(HEADS * K, DIM_MEM)
    sc_gather = _make_sc_gather_mean(TOKENS)
    sc_shape = (SC_WORKERS, TOKENS // SC_WORKERS // GATHER_CHUNK, GATHER_CHUNK)
    idx = _tc_indices(xf, rand_proj, codebook, cbn, TOKENS)
    idxh = idx.transpose(1, 0, 2).reshape((HEADS,) + sc_shape)
    out = sc_gather(vals_flat, idxh[0], idxh[1])
    return out.reshape(B, N, DIM_MEM)

# --- scband reference (transcript-rebuilt; emitter-appended) ---
"""Pipeline reference for scband-discrete-key-value-bottleneck-9723805958781 (READ-ONLY COPY).

The authoritative reference and input builder live on the scoring server;
editing this copy changes nothing except your own understanding.
"""

import jax, jax.numpy as jnp
import numpy as np

B, N, DIM_EMBED = 8, 576, 384
DIM = 32
HEADS = 2
K = 8192
DIM_MEM = 32


def setup_inputs(seed: int = 0) -> dict:
    key = jax.random.key(seed)
    k1, k2, k3, k4 = jax.random.split(key, 4)
    x = jax.random.normal(k1, (B, N, DIM_EMBED), dtype=jnp.float32)
    # xavier_normal_ on (HEADS, DIM_EMBED, DIM): fan_in=DIM_EMBED, fan_out=DIM
    std = (2.0 / (DIM_EMBED + DIM)) ** 0.5
    rand_proj = jax.random.normal(k2, (HEADS, DIM_EMBED, DIM), dtype=jnp.float32) * std
    values = jax.random.normal(k3, (HEADS, K, DIM_MEM), dtype=jnp.float32)
    codebook = jax.random.normal(k4, (HEADS, K, DIM), dtype=jnp.float32)
    return {"x": x, "rand_proj": rand_proj, "values": values, "codebook": codebook}


def reference(x, rand_proj, values, codebook):
    # project encodings into per-codebook spaces: b n d, h d e -> b n h e
    xp = jnp.einsum('bnd,hde->bnhe', x, rand_proj)
    # VectorQuantize with heads=HEADS, separate_codebook_per_head=True
    # euclidean distance to each head's codebook
    d2 = (jnp.sum(xp * xp, axis=-1, keepdims=True)
          - 2.0 * jnp.einsum('bnhe,hke->bnhk', xp, codebook)
          + jnp.sum(codebook * codebook, axis=-1)[None, None, :, :])
    idx = jnp.argmin(d2, axis=-1)  # [b, n, h]
    h_idx = jnp.arange(HEADS)
    quantized = codebook[h_idx[None, None, :], idx]  # [b, n, h, e]
    # straight-through (affects grads only)
    quantized = xp + jax.lax.stop_gradient(quantized - xp)
    commit_loss = jnp.mean((jax.lax.stop_gradient(quantized) - xp) ** 2)
    # gather memory values per head, then average pool over heads
    mem = values[h_idx[None, None, :], idx]  # [b, n, h, dim_memory]
    memories = jnp.mean(mem, axis=2)  # [b, n, dim_memory]
    return memories

if __name__ == "__main__":
    import jax
    _d = setup_inputs()
    print(jax.jit(kernel)(*tuple(_d.values())))

</pallas_src>

<mosaic_0001>
#map = affine_map<(d0, d1) -> (0, 0)>
#map1 = affine_map<(d0, d1) -> (0, 0, 0)>
module attributes {stable_mosaic.version = 14 : i64} {
  func.func @sc_gather_mean(%arg0: i32, %arg1: i32, %arg2: memref<16384x32xf32, #tpu.memory_space<hbm>>, %arg3: memref<32x2x72xi32, #tpu.memory_space<hbm>>, %arg4: memref<32x2x72xi32, #tpu.memory_space<hbm>>, %arg5: memref<4608x32xf32, #tpu.memory_space<hbm>>, %arg6: memref<2x72xi32, #tpu.memory_space<vmem>>, %arg7: memref<2x72xi32, #tpu.memory_space<vmem>>, %arg8: memref<144x32xf32, #tpu.memory_space<vmem>>, %arg9: memref<144x32xf32, #tpu.memory_space<vmem>>, %arg10: memref<!tpu.dma_semaphore, #tpu.memory_space<semaphore_mem>>) attributes {dimension_semantics = [#tpu.dimension_semantics<core_parallel>, #tpu.dimension_semantics<subcore_parallel>], iteration_bounds = array<i64: 2, 16>, scalar_prefetch = 0 : i64, scratch_operands = 5 : i64, tpu.core_type = #tpu.core_type<sc_vector_subcore>, window_params = [{transform_indices = #map}, {transform_indices = #map1}, {transform_indices = #map1}, {transform_indices = #map}]} {
    %mul3A = arith.constant 2 : i32
    %mul3A_0 = arith.muli %arg1, %mul3A : i32
    %add3A = arith.addi %mul3A_0, %arg0 : i32
    %mul3A_1 = arith.constant 144 : i32
    %mul3A_2 = arith.muli %add3A, %mul3A_1 : i32
    %dma_start3A = arith.constant 0 : i32
    %dma_start3A_3 = arith.constant 0 : i32
    %dma_start3A_4 = tpu.memref_slice %arg3[%add3A, %dma_start3A, %dma_start3A_3] : memref<32x2x72xi32, #tpu.memory_space<hbm>> -> memref<1x2x72xi32, #tpu.memory_space<hbm>>
    %dma_start3A_5 = tpu.memref_squeeze %dma_start3A_4 : memref<1x2x72xi32, #tpu.memory_space<hbm>> -> memref<2x72xi32, #tpu.memory_space<hbm>>
    %dma_start3A_6 = arith.constant 0 : i32
    %dma_start3A_7 = arith.constant 0 : i32
    %dma_start3A_8 = tpu.memref_slice %arg3[%add3A, %dma_start3A_6, %dma_start3A_7] : memref<32x2x72xi32, #tpu.memory_space<hbm>> -> memref<1x2x72xi32, #tpu.memory_space<hbm>>
    %dma_start3A_9 = tpu.memref_squeeze %dma_start3A_8 : memref<1x2x72xi32, #tpu.memory_space<hbm>> -> memref<2x72xi32, #tpu.memory_space<hbm>>
    tpu.enqueue_dma source(%dma_start3A_9 : memref<2x72xi32, #tpu.memory_space<hbm>>) target(%arg6 : memref<2x72xi32, #tpu.memory_space<vmem>>) target_semaphore(%arg10 : memref<!tpu.dma_semaphore, #tpu.memory_space<semaphore_mem>>)
    %dma_start3A_10 = arith.constant 0 : i32
    %dma_start3A_11 = arith.constant 0 : i32
    %dma_start3A_12 = tpu.memref_slice %arg4[%add3A, %dma_start3A_10, %dma_start3A_11] : memref<32x2x72xi32, #tpu.memory_space<hbm>> -> memref<1x2x72xi32, #tpu.memory_space<hbm>>
    %dma_start3A_13 = tpu.memref_squeeze %dma_start3A_12 : memref<1x2x72xi32, #tpu.memory_space<hbm>> -> memref<2x72xi32, #tpu.memory_space<hbm>>
    %dma_start3A_14 = arith.constant 0 : i32
    %dma_start3A_15 = arith.constant 0 : i32
    %dma_start3A_16 = tpu.memref_slice %arg4[%add3A, %dma_start3A_14, %dma_start3A_15] : memref<32x2x72xi32, #tpu.memory_space<hbm>> -> memref<1x2x72xi32, #tpu.memory_space<hbm>>
    %dma_start3A_17 = tpu.memref_squeeze %dma_start3A_16 : memref<1x2x72xi32, #tpu.memory_space<hbm>> -> memref<2x72xi32, #tpu.memory_space<hbm>>
    tpu.enqueue_dma source(%dma_start3A_17 : memref<2x72xi32, #tpu.memory_space<hbm>>) target(%arg7 : memref<2x72xi32, #tpu.memory_space<vmem>>) target_semaphore(%arg10 : memref<!tpu.dma_semaphore, #tpu.memory_space<semaphore_mem>>)
    %dma_wait3A = arith.constant 0 : i32
    %dma_wait3A_18 = arith.constant 0 : i32
    %dma_wait3A_19 = tpu.memref_slice %arg3[%add3A, %dma_wait3A, %dma_wait3A_18] : memref<32x2x72xi32, #tpu.memory_space<hbm>> -> memref<1x2x72xi32, #tpu.memory_space<hbm>>
    %dma_wait3A_20 = tpu.memref_squeeze %dma_wait3A_19 : memref<1x2x72xi32, #tpu.memory_space<hbm>> -> memref<2x72xi32, #tpu.memory_space<hbm>>
    %dma_wait3A_21 = arith.constant 0 : i32
    %dma_wait3A_22 = arith.constant 0 : i32
    %dma_wait3A_23 = tpu.memref_slice %arg3[%add3A, %dma_wait3A_21, %dma_wait3A_22] : memref<32x2x72xi32, #tpu.memory_space<hbm>> -> memref<1x2x72xi32, #tpu.memory_space<hbm>>
    %dma_wait3A_24 = tpu.memref_squeeze %dma_wait3A_23 : memref<1x2x72xi32, #tpu.memory_space<hbm>> -> memref<2x72xi32, #tpu.memory_space<hbm>>
    tpu.wait_dma2 semaphore(%arg10 : memref<!tpu.dma_semaphore, #tpu.memory_space<semaphore_mem>>) src(%dma_wait3A_24 : memref<2x72xi32, #tpu.memory_space<hbm>>) dst(%arg6 : memref<2x72xi32, #tpu.memory_space<vmem>>)
    %dma_wait3A_25 = arith.constant 0 : i32
    %dma_wait3A_26 = arith.constant 0 : i32
    %dma_wait3A_27 = tpu.memref_slice %arg4[%add3A, %dma_wait3A_25, %dma_wait3A_26] : memref<32x2x72xi32, #tpu.memory_space<hbm>> -> memref<1x2x72xi32, #tpu.memory_space<hbm>>
    %dma_wait3A_28 = tpu.memref_squeeze %dma_wait3A_27 : memref<1x2x72xi32, #tpu.memory_space<hbm>> -> memref<2x72xi32, #tpu.memory_space<hbm>>
    %dma_wait3A_29 = arith.constant 0 : i32
    %dma_wait3A_30 = arith.constant 0 : i32
    %dma_wait3A_31 = tpu.memref_slice %arg4[%add3A, %dma_wait3A_29, %dma_wait3A_30] : memref<32x2x72xi32, #tpu.memory_space<hbm>> -> memref<1x2x72xi32, #tpu.memory_space<hbm>>
    %dma_wait3A_32 = tpu.memref_squeeze %dma_wait3A_31 : memref<1x2x72xi32, #tpu.memory_space<hbm>> -> memref<2x72xi32, #tpu.memory_space<hbm>>
    tpu.wait_dma2 semaphore(%arg10 : memref<!tpu.dma_semaphore, #tpu.memory_space<semaphore_mem>>) src(%dma_wait3A_32 : memref<2x72xi32, #tpu.memory_space<hbm>>) dst(%arg7 : memref<2x72xi32, #tpu.memory_space<vmem>>)
    %dma_start3A_33 = arith.constant 0 : i32
    %dma_start3A_34 = arith.constant 0 : i32
    %dma_start3A_35 = arith.constant 0 : i32
    %dma_start3A_36 = tpu.memref_slice %arg8[%dma_start3A_34, %dma_start3A_35] : memref<144x32xf32, #tpu.memory_space<vmem>> -> memref<72x32xf32, #tpu.memory_space<vmem>>
    %dma_start3A_37 = arith.constant 0 : i32
    %dma_start3A_38 = tpu.memref_slice %arg6[%dma_start3A_33, %dma_start3A_37] : memref<2x72xi32, #tpu.memory_space<vmem>> -> memref<1x72xi32, #tpu.memory_space<vmem>>
    %dma_start3A_39 = tpu.memref_squeeze %dma_start3A_38 : memref<1x72xi32, #tpu.memory_space<vmem>> -> memref<72xi32, #tpu.memory_space<vmem>>
    %dma_start3A_40 = arith.constant 0 : i32
    %dma_start3A_41 = arith.constant 0 : i32
    %dma_start3A_42 = tpu.memref_slice %arg2[%dma_start3A_40, %dma_start3A_41] : memref<16384x32xf32, #tpu.memory_space<hbm>> -> memref<16384x32xf32, #tpu.memory_space<hbm>>
    tpu.enqueue_indirect_dma source(%dma_start3A_42 : memref<16384x32xf32, #tpu.memory_space<hbm>>) target(%dma_start3A_36 : memref<72x32xf32, #tpu.memory_space<vmem>>) offsets(%dma_start3A_39 : memref<72xi32, #tpu.memory_space<vmem>>) semaphore(%arg10 : memref<!tpu.dma_semaphore, #tpu.memory_space<semaphore_mem>>)
    %dma_start3A_43 = arith.constant 0 : i32
    %dma_start3A_44 = arith.constant 0 : i32
    %dma_start3A_45 = arith.constant 0 : i32
    %dma_start3A_46 = tpu.memref_slice %arg9[%dma_start3A_44, %dma_start3A_45] : memref<144x32xf32, #tpu.memory_space<vmem>> -> memref<72x32xf32, #tpu.memory_space<vmem>>
    %dma_start3A_47 = arith.constant 0 : i32
    %dma_start3A_48 = tpu.memref_slice %arg7[%dma_start3A_43, %dma_start3A_47] : memref<2x72xi32, #tpu.memory_space<vmem>> -> memref<1x72xi32, #tpu.memory_space<vmem>>
    %dma_start3A_49 = tpu.memref_squeeze %dma_start3A_48 : memref<1x72xi32, #tpu.memory_space<vmem>> -> memref<72xi32, #tpu.memory_space<vmem>>
    %dma_start3A_50 = arith.constant 0 : i32
    %dma_start3A_51 = arith.constant 0 : i32
    %dma_start3A_52 = tpu.memref_slice %arg2[%dma_start3A_50, %dma_start3A_51] : memref<16384x32xf32, #tpu.memory_space<hbm>> -> memref<16384x32xf32, #tpu.memory_space<hbm>>
    tpu.enqueue_indirect_dma source(%dma_start3A_52 : memref<16384x32xf32, #tpu.memory_space<hbm>>) target(%dma_start3A_46 : memref<72x32xf32, #tpu.memory_space<vmem>>) offsets(%dma_start3A_49 : memref<72xi32, #tpu.memory_space<vmem>>) semaphore(%arg10 : memref<!tpu.dma_semaphore, #tpu.memory_space<semaphore_mem>>)
    %dma_start3A_53 = arith.constant 1 : i32
    %dma_start3A_54 = arith.constant 72 : i32
    %dma_start3A_55 = arith.constant 0 : i32
    %dma_start3A_56 = tpu.memref_slice %arg8[%dma_start3A_54, %dma_start3A_55] : memref<144x32xf32, #tpu.memory_space<vmem>> -> memref<72x32xf32, #tpu.memory_space<vmem>>
    %dma_start3A_57 = arith.constant 0 : i32
    %dma_start3A_58 = tpu.memref_slice %arg6[%dma_start3A_53, %dma_start3A_57] : memref<2x72xi32, #tpu.memory_space<vmem>> -> memref<1x72xi32, #tpu.memory_space<vmem>>
    %dma_start3A_59 = tpu.memref_squeeze %dma_start3A_58 : memref<1x72xi32, #tpu.memory_space<vmem>> -> memref<72xi32, #tpu.memory_space<vmem>>
    %dma_start3A_60 = arith.constant 0 : i32
    %dma_start3A_61 = arith.constant 0 : i32
    %dma_start3A_62 = tpu.memref_slice %arg2[%dma_start3A_60, %dma_start3A_61] : memref<16384x32xf32, #tpu.memory_space<hbm>> -> memref<16384x32xf32, #tpu.memory_space<hbm>>
    tpu.enqueue_indirect_dma source(%dma_start3A_62 : memref<16384x32xf32, #tpu.memory_space<hbm>>) target(%dma_start3A_56 : memref<72x32xf32, #tpu.memory_space<vmem>>) offsets(%dma_start3A_59 : memref<72xi32, #tpu.memory_space<vmem>>) semaphore(%arg10 : memref<!tpu.dma_semaphore, #tpu.memory_space<semaphore_mem>>)
    %dma_start3A_63 = arith.constant 1 : i32
    %dma_start3A_64 = arith.constant 72 : i32
    %dma_start3A_65 = arith.constant 0 : i32
    %dma_start3A_66 = tpu.memref_slice %arg9[%dma_start3A_64, %dma_start3A_65] : memref<144x32xf32, #tpu.memory_space<vmem>> -> memref<72x32xf32, #tpu.memory_space<vmem>>
    %dma_start3A_67 = arith.constant 0 : i32
    %dma_start3A_68 = tpu.memref_slice %arg7[%dma_start3A_63, %dma_start3A_67] : memref<2x72xi32, #tpu.memory_space<vmem>> -> memref<1x72xi32, #tpu.memory_space<vmem>>
    %dma_start3A_69 = tpu.memref_squeeze %dma_start3A_68 : memref<1x72xi32, #tpu.memory_space<vmem>> -> memref<72xi32, #tpu.memory_space<vmem>>
    %dma_start3A_70 = arith.constant 0 : i32
    %dma_start3A_71 = arith.constant 0 : i32
    %dma_start3A_72 = tpu.memref_slice %arg2[%dma_start3A_70, %dma_start3A_71] : memref<16384x32xf32, #tpu.memory_space<hbm>> -> memref<16384x32xf32, #tpu.memory_space<hbm>>
    tpu.enqueue_indirect_dma source(%dma_start3A_72 : memref<16384x32xf32, #tpu.memory_space<hbm>>) target(%dma_start3A_66 : memref<72x32xf32, #tpu.memory_space<vmem>>) offsets(%dma_start3A_69 : memref<72xi32, #tpu.memory_space<vmem>>) semaphore(%arg10 : memref<!tpu.dma_semaphore, #tpu.memory_space<semaphore_mem>>)
    %dma_wait3A_73 = arith.constant 0 : i32
    %dma_wait3A_74 = arith.constant 0 : i32
    %dma_wait3A_75 = arith.constant 0 : i32
    %dma_wait3A_76 = tpu.memref_slice %arg8[%dma_wait3A_74, %dma_wait3A_75] : memref<144x32xf32, #tpu.memory_space<vmem>> -> memref<72x32xf32, #tpu.memory_space<vmem>>
    %dma_wait3A_77 = arith.constant 0 : i32
    %dma_wait3A_78 = tpu.memref_slice %arg6[%dma_wait3A_73, %dma_wait3A_77] : memref<2x72xi32, #tpu.memory_space<vmem>> -> memref<1x72xi32, #tpu.memory_space<vmem>>
    %dma_wait3A_79 = tpu.memref_squeeze %dma_wait3A_78 : memref<1x72xi32, #tpu.memory_space<vmem>> -> memref<72xi32, #tpu.memory_space<vmem>>
    %dma_wait3A_80 = arith.constant 0 : i32
    %dma_wait3A_81 = arith.constant 0 : i32
    %dma_wait3A_82 = tpu.memref_slice %arg2[%dma_wait3A_80, %dma_wait3A_81] : memref<16384x32xf32, #tpu.memory_space<hbm>> -> memref<16384x32xf32, #tpu.memory_space<hbm>>
    tpu.wait_indirect_dma semaphore(%arg10 : memref<!tpu.dma_semaphore, #tpu.memory_space<semaphore_mem>>) src(%dma_wait3A_82 : memref<16384x32xf32, #tpu.memory_space<hbm>>) dst(%dma_wait3A_76 : memref<72x32xf32, #tpu.memory_space<vmem>>)
    %dma_wait3A_83 = arith.constant 0 : i32
    %dma_wait3A_84 = arith.constant 0 : i32
    %dma_wait3A_85 = arith.constant 0 : i32
    %dma_wait3A_86 = tpu.memref_slice %arg9[%dma_wait3A_84, %dma_wait3A_85] : memref<144x32xf32, #tpu.memory_space<vmem>> -> memref<72x32xf32, #tpu.memory_space<vmem>>
    %dma_wait3A_87 = arith.constant 0 : i32
    %dma_wait3A_88 = tpu.memref_slice %arg7[%dma_wait3A_83, %dma_wait3A_87] : memref<2x72xi32, #tpu.memory_space<vmem>> -> memref<1x72xi32, #tpu.memory_space<vmem>>
    %dma_wait3A_89 = tpu.memref_squeeze %dma_wait3A_88 : memref<1x72xi32, #tpu.memory_space<vmem>> -> memref<72xi32, #tpu.memory_space<vmem>>
    %dma_wait3A_90 = arith.constant 0 : i32
    %dma_wait3A_91 = arith.constant 0 : i32
    %dma_wait3A_92 = tpu.memref_slice %arg2[%dma_wait3A_90, %dma_wait3A_91] : memref<16384x32xf32, #tpu.memory_space<hbm>> -> memref<16384x32xf32, #tpu.memory_space<hbm>>
    tpu.wait_indirect_dma semaphore(%arg10 : memref<!tpu.dma_semaphore, #tpu.memory_space<semaphore_mem>>) src(%dma_wait3A_92 : memref<16384x32xf32, #tpu.memory_space<hbm>>) dst(%dma_wait3A_86 : memref<72x32xf32, #tpu.memory_space<vmem>>)
    %dma_wait3A_93 = arith.constant 1 : i32
    %dma_wait3A_94 = arith.constant 72 : i32
    %dma_wait3A_95 = arith.constant 0 : i32
    %dma_wait3A_96 = tpu.memref_slice %arg8[%dma_wait3A_94, %dma_wait3A_95] : memref<144x32xf32, #tpu.memory_space<vmem>> -> memref<72x32xf32, #tpu.memory_space<vmem>>
    %dma_wait3A_97 = arith.constant 0 : i32
    %dma_wait3A_98 = tpu.memref_slice %arg6[%dma_wait3A_93, %dma_wait3A_97] : memref<2x72xi32, #tpu.memory_space<vmem>> -> memref<1x72xi32, #tpu.memory_space<vmem>>
    %dma_wait3A_99 = tpu.memref_squeeze %dma_wait3A_98 : memref<1x72xi32, #tpu.memory_space<vmem>> -> memref<72xi32, #tpu.memory_space<vmem>>
    %dma_wait3A_100 = arith.constant 0 : i32
    %dma_wait3A_101 = arith.constant 0 : i32
    %dma_wait3A_102 = tpu.memref_slice %arg2[%dma_wait3A_100, %dma_wait3A_101] : memref<16384x32xf32, #tpu.memory_space<hbm>> -> memref<16384x32xf32, #tpu.memory_space<hbm>>
    tpu.wait_indirect_dma semaphore(%arg10 : memref<!tpu.dma_semaphore, #tpu.memory_space<semaphore_mem>>) src(%dma_wait3A_102 : memref<16384x32xf32, #tpu.memory_space<hbm>>) dst(%dma_wait3A_96 : memref<72x32xf32, #tpu.memory_space<vmem>>)
    %dma_wait3A_103 = arith.constant 1 : i32
    %dma_wait3A_104 = arith.constant 72 : i32
    %dma_wait3A_105 = arith.constant 0 : i32
    %dma_wait3A_106 = tpu.memref_slice %arg9[%dma_wait3A_104, %dma_wait3A_105] : memref<144x32xf32, #tpu.memory_space<vmem>> -> memref<72x32xf32, #tpu.memory_space<vmem>>
    %dma_wait3A_107 = arith.constant 0 : i32
    %dma_wait3A_108 = tpu.memref_slice %arg7[%dma_wait3A_103, %dma_wait3A_107] : memref<2x72xi32, #tpu.memory_space<vmem>> -> memref<1x72xi32, #tpu.memory_space<vmem>>
    %dma_wait3A_109 = tpu.memref_squeeze %dma_wait3A_108 : memref<1x72xi32, #tpu.memory_space<vmem>> -> memref<72xi32, #tpu.memory_space<vmem>>
    %dma_wait3A_110 = arith.constant 0 : i32
    %dma_wait3A_111 = arith.constant 0 : i32
    %dma_wait3A_112 = tpu.memref_slice %arg2[%dma_wait3A_110, %dma_wait3A_111] : memref<16384x32xf32, #tpu.memory_space<hbm>> -> memref<16384x32xf32, #tpu.memory_space<hbm>>
    tpu.wait_indirect_dma semaphore(%arg10 : memref<!tpu.dma_semaphore, #tpu.memory_space<semaphore_mem>>) src(%dma_wait3A_112 : memref<16384x32xf32, #tpu.memory_space<hbm>>) dst(%dma_wait3A_106 : memref<72x32xf32, #tpu.memory_space<vmem>>)
    %scan3A = arith.constant 0 : i32
    %scan3A_113 = arith.constant 0 : i32
    %scan3A_114 = arith.constant 36 : i32
    %scan3A_115 = arith.addi %scan3A_113, %scan3A_114 : i32
    %scan3A_116 = arith.constant 1 : i32
    scf.for %scan3A_118 = %scan3A_113 to %scan3A_115 step %scan3A_116  : i32 {
      %mul3A_119 = arith.constant 4 : i32
      %mul3A_120 = arith.muli %scan3A_118, %mul3A_119 : i32
      %add3A_121 = arith.constant 0 : i32
      %add3A_122 = arith.addi %mul3A_120, %add3A_121 : i32
      %get3A = arith.index_cast %add3A_122 : i32 to index
      %get3A_123 = arith.constant 0 : index
      %get3A_124 = tpu.vector_load %arg8[%get3A, %get3A_123] {strides = array<i32>} : memref<144x32xf32, #tpu.memory_space<vmem>>, vector<1x16xf32>,
      %get3A_125 = vector.shape_cast %get3A_124 : vector<1x16xf32> to vector<16xf32>
      %mul3A_126 = arith.constant 4 : i32
      %mul3A_127 = arith.muli %scan3A_118, %mul3A_126 : i32
      %add3A_128 = arith.constant 0 : i32
      %add3A_129 = arith.addi %mul3A_127, %add3A_128 : i32
      %get3A_130 = arith.index_cast %add3A_129 : i32 to index
      %get3A_131 = arith.constant 0 : index
      %get3A_132 = tpu.vector_load %arg9[%get3A_130, %get3A_131] {strides = array<i32>} : memref<144x32xf32, #tpu.memory_space<vmem>>, vector<1x16xf32>,
      %get3A_133 = vector.shape_cast %get3A_132 : vector<1x16xf32> to vector<16xf32>
      %add3A_134 = arith.addf %get3A_125, %get3A_133 : vector<16xf32>
      %mul3A_135 = arith.constant 5.000000e-01 : f32
      %mul3A_136 = vector.broadcast %mul3A_135 : f32 to vector<16xf32>
      %mul3A_137 = arith.mulf %add3A_134, %mul3A_136 : vector<16xf32>
      %mul3A_138 = arith.constant 4 : i32
      %mul3A_139 = arith.muli %scan3A_118, %mul3A_138 : i32
      %add3A_140 = arith.constant 0 : i32
      %add3A_141 = arith.addi %mul3A_139, %add3A_140 : i32
      %swap3A = arith.index_cast %add3A_141 : i32 to index
      %swap3A_142 = arith.constant 0 : index
      %swap3A_143 = tpu.vector_load %arg8[%swap3A, %swap3A_142] {strides = array<i32>} : memref<144x32xf32, #tpu.memory_space<vmem>>, vector<1x16xf32>,
      %swap3A_144 = vector.shape_cast %swap3A_143 : vector<1x16xf32> to vector<16xf32>
      %swap3A_145 = vector.shape_cast %mul3A_137 : vector<16xf32> to vector<1x16xf32>
      tpu.vector_store %arg8[%swap3A, %swap3A_142], %swap3A_145 {strides = array<i32>} : memref<144x32xf32, #tpu.memory_space<vmem>>, vector<1x16xf32>,
      %mul3A_146 = arith.constant 4 : i32
      %mul3A_147 = arith.muli %scan3A_118, %mul3A_146 : i32
      %add3A_148 = arith.constant 0 : i32
      %add3A_149 = arith.addi %mul3A_147, %add3A_148 : i32
      %get3A_150 = arith.index_cast %add3A_149 : i32 to index
      %get3A_151 = arith.constant 16 : index
      %get3A_152 = tpu.vector_load %arg8[%get3A_150, %get3A_151] {strides = array<i32>} : memref<144x32xf32, #tpu.memory_space<vmem>>, vector<1x16xf32>,
      %get3A_153 = vector.shape_cast %get3A_152 : vector<1x16xf32> to vector<16xf32>
      %mul3A_154 = arith.constant 4 : i32
      %mul3A_155 = arith.muli %scan3A_118, %mul3A_154 : i32
      %add3A_156 = arith.constant 0 : i32
      %add3A_157 = arith.addi %mul3A_155, %add3A_156 : i32
      %get3A_158 = arith.index_cast %add3A_157 : i32 to index
      %get3A_159 = arith.constant 16 : index
      %get3A_160 = tpu.vector_load %arg9[%get3A_158, %get3A_159] {strides = array<i32>} : memref<144x32xf32, #tpu.memory_space<vmem>>, vector<1x16xf32>,
      %get3A_161 = vector.shape_cast %get3A_160 : vector<1x16xf32> to vector<16xf32>
      %add3A_162 = arith.addf %get3A_153, %get3A_161 : vector<16xf32>
      %mul3A_163 = arith.constant 5.000000e-01 : f32
      %mul3A_164 = vector.broadcast %mul3A_163 : f32 to vector<16xf32>
      %mul3A_165 = arith.mulf %add3A_162, %mul3A_164 : vector<16xf32>
      %mul3A_166 = arith.constant 4 : i32
      %mul3A_167 = arith.muli %scan3A_118, %mul3A_166 : i32
      %add3A_168 = arith.constant 0 : i32
      %add3A_169 = arith.addi %mul3A_167, %add3A_168 : i32
      %swap3A_170 = arith.index_cast %add3A_169 : i32 to index
      %swap3A_171 = arith.constant 16 : index
      %swap3A_172 = tpu.vector_load %arg8[%swap3A_170, %swap3A_171] {strides = array<i32>} : memref<144x32xf32, #tpu.memory_space<vmem>>, vector<1x16xf32>,
      %swap3A_173 = vector.shape_cast %swap3A_172 : vector<1x16xf32> to vector<16xf32>
      %swap3A_174 = vector.shape_cast %mul3A_165 : vector<16xf32> to vector<1x16xf32>
      tpu.vector_store %arg8[%swap3A_170, %swap3A_171], %swap3A_174 {strides = array<i32>} : memref<144x32xf32, #tpu.memory_space<vmem>>, vector<1x16xf32>,
      %mul3A_175 = arith.constant 4 : i32
      %mul3A_176 = arith.muli %scan3A_118, %mul3A_175 : i32
      %add3A_177 = arith.constant 1 : i32
      %add3A_178 = arith.addi %mul3A_176, %add3A_177 : i32
      %get3A_179 = arith.index_cast %add3A_178 : i32 to index
      %get3A_180 = arith.constant 0 : index
      %get3A_181 = tpu.vector_load %arg8[%get3A_179, %get3A_180] {strides = array<i32>} : memref<144x32xf32, #tpu.memory_space<vmem>>, vector<1x16xf32>,
      %get3A_182 = vector.shape_cast %get3A_181 : vector<1x16xf32> to vector<16xf32>
      %mul3A_183 = arith.constant 4 : i32
      %mul3A_184 = arith.muli %scan3A_118, %mul3A_183 : i32
      %add3A_185 = arith.constant 1 : i32
      %add3A_186 = arith.addi %mul3A_184, %add3A_185 : i32
      %get3A_187 = arith.index_cast %add3A_186 : i32 to index
      %get3A_188 = arith.constant 0 : index
      %get3A_189 = tpu.vector_load %arg9[%get3A_187, %get3A_188] {strides = array<i32>} : memref<144x32xf32, #tpu.memory_space<vmem>>, vector<1x16xf32>,
      %get3A_190 = vector.shape_cast %get3A_189 : vector<1x16xf32> to vector<16xf32>
      %add3A_191 = arith.addf %get3A_182, %get3A_190 : vector<16xf32>
      %mul3A_192 = arith.constant 5.000000e-01 : f32
      %mul3A_193 = vector.broadcast %mul3A_192 : f32 to vector<16xf32>
      %mul3A_194 = arith.mulf %add3A_191, %mul3A_193 : vector<16xf32>
      %mul3A_195 = arith.constant 4 : i32
      %mul3A_196 = arith.muli %scan3A_118, %mul3A_195 : i32
      %add3A_197 = arith.constant 1 : i32
      %add3A_198 = arith.addi %mul3A_196, %add3A_197 : i32
      %swap3A_199 = arith.index_cast %add3A_198 : i32 to index
      %swap3A_200 = arith.constant 0 : index
      %swap3A_201 = tpu.vector_load %arg8[%swap3A_199, %swap3A_200] {strides = array<i32>} : memref<144x32xf32, #tpu.memory_space<vmem>>, vector<1x16xf32>,
      %swap3A_202 = vector.shape_cast %swap3A_201 : vector<1x16xf32> to vector<16xf32>
      %swap3A_203 = vector.shape_cast %mul3A_194 : vector<16xf32> to vector<1x16xf32>
      tpu.vector_store %arg8[%swap3A_199, %swap3A_200], %swap3A_203 {strides = array<i32>} : memref<144x32xf32, #tpu.memory_space<vmem>>, vector<1x16xf32>,
      %mul3A_204 = arith.constant 4 : i32
      %mul3A_205 = arith.muli %scan3A_118, %mul3A_204 : i32
      %add3A_206 = arith.constant 1 : i32
      %add3A_207 = arith.addi %mul3A_205, %add3A_206 : i32
      %get3A_208 = arith.index_cast %add3A_207 : i32 to index
      %get3A_209 = arith.constant 16 : index
      %get3A_210 = tpu.vector_load %arg8[%get3A_208, %get3A_209] {strides = array<i32>} : memref<144x32xf32, #tpu.memory_space<vmem>>, vector<1x16xf32>,
      %get3A_211 = vector.shape_cast %get3A_210 : vector<1x16xf32> to vector<16xf32>
      %mul3A_212 = arith.constant 4 : i32
      %mul3A_213 = arith.muli %scan3A_118, %mul3A_212 : i32
      %add3A_214 = arith.constant 1 : i32
      %add3A_215 = arith.addi %mul3A_213, %add3A_214 : i32
      %get3A_216 = arith.index_cast %add3A_215 : i32 to index
      %get3A_217 = arith.constant 16 : index
      %get3A_218 = tpu.vector_load %arg9[%get3A_216, %get3A_217] {strides = array<i32>} : memref<144x32xf32, #tpu.memory_space<vmem>>, vector<1x16xf32>,
      %get3A_219 = vector.shape_cast %get3A_218 : vector<1x16xf32> to vector<16xf32>
      %add3A_220 = arith.addf %get3A_211, %get3A_219 : vector<16xf32>
      %mul3A_221 = arith.constant 5.000000e-01 : f32
      %mul3A_222 = vector.broadcast %mul3A_221 : f32 to vector<16xf32>
      %mul3A_223 = arith.mulf %add3A_220, %mul3A_222 : vector<16xf32>
      %mul3A_224 = arith.constant 4 : i32
      %mul3A_225 = arith.muli %scan3A_118, %mul3A_224 : i32
      %add3A_226 = arith.constant 1 : i32
      %add3A_227 = arith.addi %mul3A_225, %add3A_226 : i32
      %swap3A_228 = arith.index_cast %add3A_227 : i32 to index
      %swap3A_229 = arith.constant 16 : index
      %swap3A_230 = tpu.vector_load %arg8[%swap3A_228, %swap3A_229] {strides = array<i32>} : memref<144x32xf32, #tpu.memory_space<vmem>>, vector<1x16xf32>,
      %swap3A_231 = vector.shape_cast %swap3A_230 : vector<1x16xf32> to vector<16xf32>
      %swap3A_232 = vector.shape_cast %mul3A_223 : vector<16xf32> to vector<1x16xf32>
      tpu.vector_store %arg8[%swap3A_228, %swap3A_229], %swap3A_232 {strides = array<i32>} : memref<144x32xf32, #tpu.memory_space<vmem>>, vector<1x16xf32>,
      %mul3A_233 = arith.constant 4 : i32
      %mul3A_234 = arith.muli %scan3A_118, %mul3A_233 : i32
      %add3A_235 = arith.constant 2 : i32
      %add3A_236 = arith.addi %mul3A_234, %add3A_235 : i32
      %get3A_237 = arith.index_cast %add3A_236 : i32 to index
      %get3A_238 = arith.constant 0 : index
      %get3A_239 = tpu.vector_load %arg8[%get3A_237, %get3A_238] {strides = array<i32>} : memref<144x32xf32, #tpu.memory_space<vmem>>, vector<1x16xf32>,
      %get3A_240 = vector.shape_cast %get3A_239 : vector<1x16xf32> to vector<16xf32>
      %mul3A_241 = arith.constant 4 : i32
      %mul3A_242 = arith.muli %scan3A_118, %mul3A_241 : i32
      %add3A_243 = arith.constant 2 : i32
      %add3A_244 = arith.addi %mul3A_242, %add3A_243 : i32
      %get3A_245 = arith.index_cast %add3A_244 : i32 to index
      %get3A_246 = arith.constant 0 : index
      %get3A_247 = tpu.vector_load %arg9[%get3A_245, %get3A_246] {strides = array<i32>} : memref<144x32xf32, #tpu.memory_space<vmem>>, vector<1x16xf32>,
      %get3A_248 = vector.shape_cast %get3A_247 : vector<1x16xf32> to vector<16xf32>
      %add3A_249 = arith.addf %get3A_240, %get3A_248 : vector<16xf32>
      %mul3A_250 = arith.constant 5.000000e-01 : f32
      %mul3A_251 = vector.broadcast %mul3A_250 : f32 to vector<16xf32>
      %mul3A_252 = arith.mulf %add3A_249, %mul3A_251 : vector<16xf32>
      %mul3A_253 = arith.constant 4 : i32
      %mul3A_254 = arith.muli %scan3A_118, %mul3A_253 : i32
      %add3A_255 = arith.constant 2 : i32
      %add3A_256 = arith.addi %mul3A_254, %add3A_255 : i32
      %swap3A_257 = arith.index_cast %add3A_256 : i32 to index
      %swap3A_258 = arith.constant 0 : index
      %swap3A_259 = tpu.vector_load %arg8[%swap3A_257, %swap3A_258] {strides = array<i32>} : memref<144x32xf32, #tpu.memory_space<vmem>>, vector<1x16xf32>,
      %swap3A_260 = vector.shape_cast %swap3A_259 : vector<1x16xf32> to vector<16xf32>
      %swap3A_261 = vector.shape_cast %mul3A_252 : vector<16xf32> to vector<1x16xf32>
      tpu.vector_store %arg8[%swap3A_257, %swap3A_258], %swap3A_261 {strides = array<i32>} : memref<144x32xf32, #tpu.memory_space<vmem>>, vector<1x16xf32>,
      %mul3A_262 = arith.constant 4 : i32
      %mul3A_263 = arith.muli %scan3A_118, %mul3A_262 : i32
      %add3A_264 = arith.constant 2 : i32
      %add3A_265 = arith.addi %mul3A_263, %add3A_264 : i32
      %get3A_266 = arith.index_cast %add3A_265 : i32 to index
      %get3A_267 = arith.constant 16 : index
      %get3A_268 = tpu.vector_load %arg8[%get3A_266, %get3A_267] {strides = array<i32>} : memref<144x32xf32, #tpu.memory_space<vmem>>, vector<1x16xf32>,
      %get3A_269 = vector.shape_cast %get3A_268 : vector<1x16xf32> to vector<16xf32>
      %mul3A_270 = arith.constant 4 : i32
      %mul3A_271 = arith.muli %scan3A_118, %mul3A_270 : i32
      %add3A_272 = arith.constant 2 : i32
      %add3A_273 = arith.addi %mul3A_271, %add3A_272 : i32
      %get3A_274 = arith.index_cast %add3A_273 : i32 to index
      %get3A_275 = arith.constant 16 : index
      %get3A_276 = tpu.vector_load %arg9[%get3A_274, %get3A_275] {strides = array<i32>} : memref<144x32xf32, #tpu.memory_space<vmem>>, vector<1x16xf32>,
      %get3A_277 = vector.shape_cast %get3A_276 : vector<1x16xf32> to vector<16xf32>
      %add3A_278 = arith.addf %get3A_269, %get3A_277 : vector<16xf32>
      %mul3A_279 = arith.constant 5.000000e-01 : f32
      %mul3A_280 = vector.broadcast %mul3A_279 : f32 to vector<16xf32>
      %mul3A_281 = arith.mulf %add3A_278, %mul3A_280 : vector<16xf32>
      %mul3A_282 = arith.constant 4 : i32
      %mul3A_283 = arith.muli %scan3A_118, %mul3A_282 : i32
      %add3A_284 = arith.constant 2 : i32
      %add3A_285 = arith.addi %mul3A_283, %add3A_284 : i32
      %swap3A_286 = arith.index_cast %add3A_285 : i32 to index
      %swap3A_287 = arith.constant 16 : index
      %swap3A_288 = tpu.vector_load %arg8[%swap3A_286, %swap3A_287] {strides = array<i32>} : memref<144x32xf32, #tpu.memory_space<vmem>>, vector<1x16xf32>,
      %swap3A_289 = vector.shape_cast %swap3A_288 : vector<1x16xf32> to vector<16xf32>
      %swap3A_290 = vector.shape_cast %mul3A_281 : vector<16xf32> to vector<1x16xf32>
      tpu.vector_store %arg8[%swap3A_286, %swap3A_287], %swap3A_290 {strides = array<i32>} : memref<144x32xf32, #tpu.memory_space<vmem>>, vector<1x16xf32>,
      %mul3A_291 = arith.constant 4 : i32
      %mul3A_292 = arith.muli %scan3A_118, %mul3A_291 : i32
      %add3A_293 = arith.constant 3 : i32
      %add3A_294 = arith.addi %mul3A_292, %add3A_293 : i32
      %get3A_295 = arith.index_cast %add3A_294 : i32 to index
      %get3A_296 = arith.constant 0 : index
      %get3A_297 = tpu.vector_load %arg8[%get3A_295, %get3A_296] {strides = array<i32>} : memref<144x32xf32, #tpu.memory_space<vmem>>, vector<1x16xf32>,
      %get3A_298 = vector.shape_cast %get3A_297 : vector<1x16xf32> to vector<16xf32>
      %mul3A_299 = arith.constant 4 : i32
      %mul3A_300 = arith.muli %scan3A_118, %mul3A_299 : i32
      %add3A_301 = arith.constant 3 : i32
      %add3A_302 = arith.addi %mul3A_300, %add3A_301 : i32
      %get3A_303 = arith.index_cast %add3A_302 : i32 to index
      %get3A_304 = arith.constant 0 : index
      %get3A_305 = tpu.vector_load %arg9[%get3A_303, %get3A_304] {strides = array<i32>} : memref<144x32xf32, #tpu.memory_space<vmem>>, vector<1x16xf32>,
      %get3A_306 = vector.shape_cast %get3A_305 : vector<1x16xf32> to vector<16xf32>
      %add3A_307 = arith.addf %get3A_298, %get3A_306 : vector<16xf32>
      %mul3A_308 = arith.constant 5.000000e-01 : f32
      %mul3A_309 = vector.broadcast %mul3A_308 : f32 to vector<16xf32>
      %mul3A_310 = arith.mulf %add3A_307, %mul3A_309 : vector<16xf32>
      %mul3A_311 = arith.constant 4 : i32
      %mul3A_312 = arith.muli %scan3A_118, %mul3A_311 : i32
      %add3A_313 = arith.constant 3 : i32
      %add3A_314 = arith.addi %mul3A_312, %add3A_313 : i32
      %swap3A_315 = arith.index_cast %add3A_314 : i32 to index
      %swap3A_316 = arith.constant 0 : index
      %swap3A_317 = tpu.vector_load %arg8[%swap3A_315, %swap3A_316] {strides = array<i32>} : memref<144x32xf32, #tpu.memory_space<vmem>>, vector<1x16xf32>,
      %swap3A_318 = vector.shape_cast %swap3A_317 : vector<1x16xf32> to vector<16xf32>
      %swap3A_319 = vector.shape_cast %mul3A_310 : vector<16xf32> to vector<1x16xf32>
      tpu.vector_store %arg8[%swap3A_315, %swap3A_316], %swap3A_319 {strides = array<i32>} : memref<144x32xf32, #tpu.memory_space<vmem>>, vector<1x16xf32>,
      %mul3A_320 = arith.constant 4 : i32
      %mul3A_321 = arith.muli %scan3A_118, %mul3A_320 : i32
      %add3A_322 = arith.constant 3 : i32
      %add3A_323 = arith.addi %mul3A_321, %add3A_322 : i32
      %get3A_324 = arith.index_cast %add3A_323 : i32 to index
      %get3A_325 = arith.constant 16 : index
      %get3A_326 = tpu.vector_load %arg8[%get3A_324, %get3A_325] {strides = array<i32>} : memref<144x32xf32, #tpu.memory_space<vmem>>, vector<1x16xf32>,
      %get3A_327 = vector.shape_cast %get3A_326 : vector<1x16xf32> to vector<16xf32>
      %mul3A_328 = arith.constant 4 : i32
      %mul3A_329 = arith.muli %scan3A_118, %mul3A_328 : i32
      %add3A_330 = arith.constant 3 : i32
      %add3A_331 = arith.addi %mul3A_329, %add3A_330 : i32
      %get3A_332 = arith.index_cast %add3A_331 : i32 to index
      %get3A_333 = arith.constant 16 : index
      %get3A_334 = tpu.vector_load %arg9[%get3A_332, %get3A_333] {strides = array<i32>} : memref<144x32xf32, #tpu.memory_space<vmem>>, vector<1x16xf32>,
      %get3A_335 = vector.shape_cast %get3A_334 : vector<1x16xf32> to vector<16xf32>
      %add3A_336 = arith.addf %get3A_327, %get3A_335 : vector<16xf32>
      %mul3A_337 = arith.constant 5.000000e-01 : f32
      %mul3A_338 = vector.broadcast %mul3A_337 : f32 to vector<16xf32>
      %mul3A_339 = arith.mulf %add3A_336, %mul3A_338 : vector<16xf32>
      %mul3A_340 = arith.constant 4 : i32
      %mul3A_341 = arith.muli %scan3A_118, %mul3A_340 : i32
      %add3A_342 = arith.constant 3 : i32
      %add3A_343 = arith.addi %mul3A_341, %add3A_342 : i32
      %swap3A_344 = arith.index_cast %add3A_343 : i32 to index
      %swap3A_345 = arith.constant 16 : index
      %swap3A_346 = tpu.vector_load %arg8[%swap3A_344, %swap3A_345] {strides = array<i32>} : memref<144x32xf32, #tpu.memory_space<vmem>>, vector<1x16xf32>,
      %swap3A_347 = vector.shape_cast %swap3A_346 : vector<1x16xf32> to vector<16xf32>
      %swap3A_348 = vector.shape_cast %mul3A_339 : vector<16xf32> to vector<1x16xf32>
      tpu.vector_store %arg8[%swap3A_344, %swap3A_345], %swap3A_348 {strides = array<i32>} : memref<144x32xf32, #tpu.memory_space<vmem>>, vector<1x16xf32>,
    }
    %scan3A_117 = arith.constant 36 : i32
    "tpu.region"() ({
      %run_scoped3A = tpu.sem_alloc : memref<!tpu.dma_semaphore, #tpu.memory_space<semaphore_mem>>
      %dma_start3A_118 = arith.constant 0 : i32
      %dma_start3A_119 = tpu.memref_slice %arg5[%mul3A_2, %dma_start3A_118] : memref<4608x32xf32, #tpu.memory_space<hbm>> -> memref<144x32xf32, #tpu.memory_space<hbm>>
      %dma_start3A_120 = arith.constant 0 : i32
      %dma_start3A_121 = tpu.memref_slice %arg5[%mul3A_2, %dma_start3A_120] : memref<4608x32xf32, #tpu.memory_space<hbm>> -> memref<144x32xf32, #tpu.memory_space<hbm>>
      tpu.enqueue_dma source(%arg8 : memref<144x32xf32, #tpu.memory_space<vmem>>) target(%dma_start3A_121 : memref<144x32xf32, #tpu.memory_space<hbm>>) target_semaphore(%run_scoped3A : memref<!tpu.dma_semaphore, #tpu.memory_space<semaphore_mem>>)
      %dma_wait3A_122 = arith.constant 0 : i32
      %dma_wait3A_123 = tpu.memref_slice %arg5[%mul3A_2, %dma_wait3A_122] : memref<4608x32xf32, #tpu.memory_space<hbm>> -> memref<144x32xf32, #tpu.memory_space<hbm>>
      %dma_wait3A_124 = arith.constant 0 : i32
      %dma_wait3A_125 = tpu.memref_slice %arg5[%mul3A_2, %dma_wait3A_124] : memref<4608x32xf32, #tpu.memory_space<hbm>> -> memref<144x32xf32, #tpu.memory_space<hbm>>
      tpu.wait_dma2 semaphore(%run_scoped3A : memref<!tpu.dma_semaphore, #tpu.memory_space<semaphore_mem>>) src(%arg8 : memref<144x32xf32, #tpu.memory_space<vmem>>) dst(%dma_wait3A_125 : memref<144x32xf32, #tpu.memory_space<hbm>>)
      tpu.yield
    }) : () -> ()
    return
  }
}

module attributes {stable_mosaic.version = 14 : i64} {
  func.func @_tc_idx_body(%arg0: i32, %arg1: memref<384x384xf32, #tpu.memory_space<vmem>>, %arg2: memref<2x384x32xf32, #tpu.memory_space<vmem>>, %arg3: memref<2x8192x32xf32, #tpu.memory_space<vmem>>, %arg4: memref<2x8192xf32, #tpu.memory_space<vmem>>, %arg5: memref<1x2x384xi32, #tpu.memory_space<vmem>>) attributes {dimension_semantics = [#tpu.dimension_semantics<arbitrary>], iteration_bounds = array<i64: 12>, scalar_prefetch = 0 : i64, scratch_operands = 0 : i64, tpu.core_type = #tpu.core_type<tc>, window_params = [{transform_indices = @transform_0, window_bounds = array<i64: 384, 384>}, {pipeline_mode = #tpu.pipeline_mode<synchronous>, transform_indices = @transform_1, window_bounds = array<i64: 2, 384, 32>}, {pipeline_mode = #tpu.pipeline_mode<synchronous>, transform_indices = @transform_2, window_bounds = array<i64: 2, 8192, 32>}, {pipeline_mode = #tpu.pipeline_mode<synchronous>, transform_indices = @transform_3, window_bounds = array<i64: 2, 8192>}, {transform_indices = @transform_4, window_bounds = array<i64: 1, 2, 384>}]} {
    %get3A = arith.constant 0 : index
    %get3A_0 = arith.constant 0 : index
    %get3A_1 = vector.load %arg1[%get3A, %get3A_0] : memref<384x384xf32, #tpu.memory_space<vmem>>, vector<384x384xf32>
    %get3A_2 = arith.constant 0 : index
    %get3A_3 = arith.constant 0 : index
    %get3A_4 = arith.constant 0 : index
    %get3A_5 = vector.load %arg2[%get3A_2, %get3A_3, %get3A_4] : memref<2x384x32xf32, #tpu.memory_space<vmem>>, vector<1x384x32xf32>
    %get3A_6 = vector.shape_cast %get3A_5 : vector<1x384x32xf32> to vector<384x32xf32>
    %get3A_7 = arith.constant 0 : index
    %get3A_8 = arith.constant 0 : index
    %get3A_9 = arith.constant 0 : index
    %get3A_10 = vector.load %arg3[%get3A_7, %get3A_8, %get3A_9] : memref<2x8192x32xf32, #tpu.memory_space<vmem>>, vector<1x8192x32xf32>
    %get3A_11 = vector.shape_cast %get3A_10 : vector<1x8192x32xf32> to vector<8192x32xf32>
    %dot_general3A = arith.constant dense<0.000000e+00> : vector<384x32xf32>
    %dot_general3A_12 = tpu.matmul %get3A_1, %get3A_6, %dot_general3A {dimension_numbers = #tpu.dot_dimension_numbers<[1], [0], [0], [1], [0, 0, 1, 1], [], []>, transpose_lhs_hint = false} : vector<384x384xf32>, vector<384x32xf32>, vector<384x32xf32> -> vector<384x32xf32>
    %mul3A = arith.mulf %dot_general3A_12, %dot_general3A_12 : vector<384x32xf32>
    %reduce_sum3A = arith.constant dense<0.000000e+00> : vector<384xf32>
    %reduce_sum3A_13 = vector.multi_reduction <add>, %mul3A, %reduce_sum3A [1] : vector<384x32xf32> to vector<384xf32>
    %broadcast_in_dim3A = vector.shape_cast %reduce_sum3A_13 : vector<384xf32> to vector<384x1xf32>
    %mul3A_14 = arith.constant -2.000000e+00 : f32
    %mul3A_15 = vector.broadcast %mul3A_14 : f32 to vector<384x32xf32>
    %mul3A_16 = arith.mulf %dot_general3A_12, %mul3A_15 : vector<384x32xf32>
    %dot_general3A_17 = arith.constant dense<0.000000e+00> : vector<384x8192xf32>
    %dot_general3A_18 = tpu.matmul %mul3A_16, %get3A_11, %dot_general3A_17 {dimension_numbers = #tpu.dot_dimension_numbers<[1], [1], [0], [0], [0, 0, 1, 0], [], []>, transpose_lhs_hint = false} : vector<384x32xf32>, vector<8192x32xf32>, vector<384x8192xf32> -> vector<384x8192xf32>
    %add3A = vector.broadcast %broadcast_in_dim3A : vector<384x1xf32> to vector<384x8192xf32>
    %add3A_19 = arith.addf %add3A, %dot_general3A_18 : vector<384x8192xf32>
    %get3A_20 = arith.constant 0 : index
    %get3A_21 = arith.constant 0 : index
    %get3A_22 = vector.load %arg4[%get3A_20, %get3A_21] : memref<2x8192xf32, #tpu.memory_space<vmem>>, vector<1x8192xf32>
    %get3A_23 = vector.shape_cast %get3A_22 : vector<1x8192xf32> to vector<8192xf32>
    %broadcast_in_dim3A_24 = vector.shape_cast %get3A_23 : vector<8192xf32> to vector<1x8192xf32>
    %add3A_25 = vector.broadcast %broadcast_in_dim3A_24 : vector<1x8192xf32> to vector<384x8192xf32>
    %add3A_26 = arith.addf %add3A_19, %add3A_25 : vector<384x8192xf32>
    %argmin3A = tpu.reduce_index %add3A_26 {axis = 1 : i32, kind = #tpu.reduction_kind<arg_min>} : vector<384x8192xf32> -> vector<384xi32>
    %add3A_27 = arith.constant 0 : i32
    %add3A_28 = vector.broadcast %add3A_27 : i32 to vector<384xi32>
    %add3A_29 = arith.addi %argmin3A, %add3A_28 : vector<384xi32>
    %get3A_30 = arith.constant 1 : index
    %get3A_31 = arith.constant 0 : index
    %get3A_32 = arith.constant 0 : index
    %get3A_33 = vector.load %arg2[%get3A_30, %get3A_31, %get3A_32] : memref<2x384x32xf32, #tpu.memory_space<vmem>>, vector<1x384x32xf32>
    %get3A_34 = vector.shape_cast %get3A_33 : vector<1x384x32xf32> to vector<384x32xf32>
    %get3A_35 = arith.constant 1 : index
    %get3A_36 = arith.constant 0 : index
    %get3A_37 = arith.constant 0 : index
    %get3A_38 = vector.load %arg3[%get3A_35, %get3A_36, %get3A_37] : memref<2x8192x32xf32, #tpu.memory_space<vmem>>, vector<1x8192x32xf32>
    %get3A_39 = vector.shape_cast %get3A_38 : vector<1x8192x32xf32> to vector<8192x32xf32>
    %dot_general3A_40 = arith.constant dense<0.000000e+00> : vector<384x32xf32>
    %dot_general3A_41 = tpu.matmul %get3A_1, %get3A_34, %dot_general3A_40 {dimension_numbers = #tpu.dot_dimension_numbers<[1], [0], [0], [1], [0, 0, 1, 1], [], []>, transpose_lhs_hint = false} : vector<384x384xf32>, vector<384x32xf32>, vector<384x32xf32> -> vector<384x32xf32>
    %mul3A_42 = arith.mulf %dot_general3A_41, %dot_general3A_41 : vector<384x32xf32>
    %reduce_sum3A_43 = arith.constant dense<0.000000e+00> : vector<384xf32>
    %reduce_sum3A_44 = vector.multi_reduction <add>, %mul3A_42, %reduce_sum3A_43 [1] : vector<384x32xf32> to vector<384xf32>
    %broadcast_in_dim3A_45 = vector.shape_cast %reduce_sum3A_44 : vector<384xf32> to vector<384x1xf32>
    %mul3A_46 = arith.constant -2.000000e+00 : f32
    %mul3A_47 = vector.broadcast %mul3A_46 : f32 to vector<384x32xf32>
    %mul3A_48 = arith.mulf %dot_general3A_41, %mul3A_47 : vector<384x32xf32>
    %dot_general3A_49 = arith.constant dense<0.000000e+00> : vector<384x8192xf32>
    %dot_general3A_50 = tpu.matmul %mul3A_48, %get3A_39, %dot_general3A_49 {dimension_numbers = #tpu.dot_dimension_numbers<[1], [1], [0], [0], [0, 0, 1, 0], [], []>, transpose_lhs_hint = false} : vector<384x32xf32>, vector<8192x32xf32>, vector<384x8192xf32> -> vector<384x8192xf32>
    %add3A_51 = vector.broadcast %broadcast_in_dim3A_45 : vector<384x1xf32> to vector<384x8192xf32>
    %add3A_52 = arith.addf %add3A_51, %dot_general3A_50 : vector<384x8192xf32>
    %get3A_53 = arith.constant 1 : index
    %get3A_54 = arith.constant 0 : index
    %get3A_55 = vector.load %arg4[%get3A_53, %get3A_54] : memref<2x8192xf32, #tpu.memory_space<vmem>>, vector<1x8192xf32>
    %get3A_56 = vector.shape_cast %get3A_55 : vector<1x8192xf32> to vector<8192xf32>
    %broadcast_in_dim3A_57 = vector.shape_cast %get3A_56 : vector<8192xf32> to vector<1x8192xf32>
    %add3A_58 = vector.broadcast %broadcast_in_dim3A_57 : vector<1x8192xf32> to vector<384x8192xf32>
    %add3A_59 = arith.addf %add3A_52, %add3A_58 : vector<384x8192xf32>
    %argmin3A_60 = tpu.reduce_index %add3A_59 {axis = 1 : i32, kind = #tpu.reduction_kind<arg_min>} : vector<384x8192xf32> -> vector<384xi32>
    %add3A_61 = arith.constant 8192 : i32
    %add3A_62 = vector.broadcast %add3A_61 : i32 to vector<384xi32>
    %add3A_63 = arith.addi %argmin3A_60, %add3A_62 : vector<384xi32>
    %stack3A = vector.shape_cast %add3A_29 : vector<384xi32> to vector<1x384xi32>
    %stack3A_64 = vector.shape_cast %add3A_63 : vector<384xi32> to vector<1x384xi32>
    %stack3A_65 = tpu.concatenate %stack3A, %stack3A_64 in 0 : vector<1x384xi32>, vector<1x384xi32> -> vector<2x384xi32>
    %broadcast_in_dim3A_66 = vector.shape_cast %stack3A_65 : vector<2x384xi32> to vector<1x2x384xi32>
    %swap3A = arith.constant 0 : index
    %swap3A_67 = arith.constant 0 : index
    %swap3A_68 = arith.constant 0 : index
    %swap3A_69 = vector.load %arg5[%swap3A, %swap3A_67, %swap3A_68] : memref<1x2x384xi32, #tpu.memory_space<vmem>>, vector<1x2x384xi32>
    tpu.vector_store %arg5[%swap3A, %swap3A_67, %swap3A_68], %broadcast_in_dim3A_66 {strides = array<i32>} : memref<1x2x384xi32, #tpu.memory_space<vmem>>, vector<1x2x384xi32>,
    return
  }
  func.func @transform_0(%arg0: i32) -> (i32, i32) {
    %c0_i32 = arith.constant 0 : i32
    %c0_i32_0 = arith.constant 0 : i32
    return %arg0, %c0_i32 : i32, i32
  }
  func.func @transform_1(%arg0: i32) -> (i32, i32, i32) {
    %c0_i32 = arith.constant 0 : i32
    %c0_i32_0 = arith.constant 0 : i32
    %c0_i32_1 = arith.constant 0 : i32
    %c0_i32_2 = arith.constant 0 : i32
    return %c0_i32, %c0_i32_0, %c0_i32_1 : i32, i32, i32
  }
  func.func @transform_2(%arg0: i32) -> (i32, i32, i32) {
    %c0_i32 = arith.constant 0 : i32
    %c0_i32_0 = arith.constant 0 : i32
    %c0_i32_1 = arith.constant 0 : i32
    %c0_i32_2 = arith.constant 0 : i32
    return %c0_i32, %c0_i32_0, %c0_i32_1 : i32, i32, i32
  }
  func.func @transform_3(%arg0: i32) -> (i32, i32) {
    %c0_i32 = arith.constant 0 : i32
    %c0_i32_0 = arith.constant 0 : i32
    %c0_i32_1 = arith.constant 0 : i32
    return %c0_i32, %c0_i32_0 : i32, i32
  }
  func.func @transform_4(%arg0: i32) -> (i32, i32, i32) {
    %c0_i32 = arith.constant 0 : i32
    %c0_i32_0 = arith.constant 0 : i32
    %c0_i32_1 = arith.constant 0 : i32
    return %arg0, %c0_i32, %c0_i32_0 : i32, i32, i32
  }
}

</mosaic_0001>

<sc_bundles>
// kernel: kernel.4.cloned.1.call-start
scs
__scs_entry_jumppad:
0x0: {  	(pc) =	sbr.rel $0x88, $3  }
0x1: {  	(tag) =	ssettag $0x0;
	lr =	simm.s32 $0x1  }
0x2: {  	[smem:$0x3F9D] =	sst lr;
	_ =	strace $0xD0000000  }
0x3: {  	_ = 	snop  }
0x4: {  	_ = 	snop  }
0x5: {  	_ = 	snop  }
0x6: {  	_ = 	snop  }
0x7: {  	_ = 	snop  }
__scs_overlays_trampoline_lowered:
0x8: {  	[smem:$0x3FAC] =	sst s0  }
0x9: {  	[smem:$0x3FAD] =	sst s1  }
0xa: {  	[smem:$0x3FAE] =	sst s2  }
0xb: {  	[smem:$0x3FAF] =	sst s3  }
0xc: {  	[smem:$0x3FB0] =	sst s4  }
0xd: {  	[smem:$0x3FB1] =	sst s5  }
0xe: {  	[smem:$0x3FB2] =	sst s6  }
0xf: {  	[smem:$0x3FB3] =	sst s7  }
0x10: {  	[smem:$0x3FB4] =	sst s8  }
0x11: {  	[smem:$0x3FB5] =	sst s9;
	s0 =	simm.s32 @!p0 $0x0  }
0x12: {  	s1 =	sld [smem:$0x3F9B];
	s0 =	simm.s32 @p0 $0x1  }
0x13: {  	[smem:$0x3FB6] =	sst s0;
	s0 =	simm.s32 @!p1 $0x0  }
0x14: {  	s2 =	sld [smem:$0x3F9A];
	s0 =	simm.s32 @p1 $0x1  }
0x15: {  	[smem:$0x3FB7] =	sst s0;
	s0 =	simm.s32 @!p2 $0x0  }
0x16: {  	s3 =	sld [smem:$0x3FDB];
	s0 =	simm.s32 @p2 $0x1  }
0x17: {  	s4 =	simm.s32 $0x1BF5;
	[smem:$0x3FB9] =	sst s0  }
0x18: {  	s0 =	sld [smem:$0x3F9C];
	_ =	swait.ge [sflag:s4], $0x0  }
0x19: {  	s7 =	sld [smem:$0x3F9D]  }
0x1a: {  	s8 =	sadd.s32 $0xFFFFE003, lr  }
0x1b: {  	s9 =	sadd.s32 $0xFFFFFEF7, lr;
	s5 =	simm.s32 $0xFFFFFFFF;
	p2 =	slt.u32 s8, $0xFFFFF086  }
0x1c: {  	p1 =	slt.u32 s9, $0xF7A;
	s5 =	simm.s32 @!p2 $0x0  }
0x1d: {  	s5 =	simm.s32 @p1 $0x1;
	p0 =	seq.s32 s7, s2  }
0x1e: {  	s7 =	smul.u32 @!p0 $0xF7A, s2;
	p2 =	seq.s32 @!p0 s5, $0x0  }
0x1f: {  	s9 =	smul.u32 $0xF7A, s1;
	s8 =	simm.s32 @!p0 $0x1BF5;
	p2 =	por !p2, p0  }
0x20: {  	[sflag:s8] =	ssyncset.s32 @!p0 $0xFFFFF086;
	s6 =	sadd.s32 @!p0 s3, s7;
	s7 =	simm.s32 @!p0 $0x108  }
0x21: {  	s3 =	sadd.s32 s3, s9;
	s6 =	sadd.s32 @!p0 $0x88, s6;
	s7 =	simm.s32 @p2 $0x1082  }
0x22: {  	[simem:s7], [sflag:s8] =	dma.local @!p0 [hbm:s6], $0xF7A  }
0x23: {  	s9 =	sor.u32 $0xD0000000, s2;
	s6 =	simm.s32 $0x108;
	_ =	swait.ge @!p0 [sflag:s8], $0x0  }
0x24: {  	s3 =	sadd.s32 $0x88, s3;
	s6 =	simm.s32 @!p1 $0x1082;
	[sflag:s4] =	ssyncset.s32 $0xFFFFF086  }
0x25: {  	[simem:s6], [sflag:s4] =	dma.local [hbm:s3], $0xF7A  }
0x26: {  	[smem:$0x3F9D] =	sst s1;
	(tag) =	ssettag s2;
	_ =	strace s9  }
0x27: {  	s1 =	sld [smem:$0x3FAD]  }
0x28: {  	s2 =	sld [smem:$0x3FAE]  }
0x29: {  	s4 =	sld [smem:$0x3FB0]  }
0x2a: {  	p0 =	seq.s32 s5, $0x0;
	s5 =	sld [smem:$0x3FB1]  }
0x2b: {  	s6 =	sld [smem:$0x3FB2]  }
0x2c: {  	s7 =	sld [smem:$0x3FB3]  }
0x2d: {  	s3 =	simm.s32 $0x108;
	s8 =	sld [smem:$0x3FB4]  }
0x2e: {  	s3 =	simm.s32 @!p0 $0x1082;
	s9 =	sld [smem:$0x3FB5]  }
0x2f: {  	lr =	sadd.s32 s0, s3;
	s0 =	sld [smem:$0x3FAC]  }
0x30: {  	s3 =	sld [smem:$0x3FAF]  }
0x31: {  	[smem:$0x3FB8] =	sst s10  }
0x32: {  	s10 =	sld [smem:$0x3FB6];
	_ =	sdelay $0x3  }
0x33: {  	p0 =	seq.s32 s10, $0x1;
	s10 =	sld [smem:$0x3FB8];
	_ =	sdelay $0x3  }
0x34: {  	[smem:$0x3FB8] =	sst s10  }
0x35: {  	s10 =	sld [smem:$0x3FB7];
	_ =	sdelay $0x3  }
0x36: {  	p1 =	seq.s32 s10, $0x1;
	s10 =	sld [smem:$0x3FB8];
	_ =	sdelay $0x3  }
0x37: {  	[smem:$0x3FB8] =	sst s10  }
0x38: {  	s10 =	sld [smem:$0x3FB9]  }
0x39: {  	_ = 	snop;
	(pc) =	sbr.ind lr, $3  }
0x3a: {  	_ = 	snop  }
0x3b: {  	_ = 	snop  }
0x3c: {  	p2 =	seq.s32 s10, $0x1;
	s10 =	sld [smem:$0x3FB8]  }
0x3d: {  	_ =	shalt  }
0x3e: {  	_ =	shalt  }
0x3f: {  	_ =	shalt  }
0x40: {  	_ =	shalt  }
0x41: {  	_ =	shalt  }
0x42: {  	_ =	shalt  }
0x43: {  	_ =	shalt  }
0x44: {  	_ =	shalt  }
0x45: {  	_ =	shalt  }
0x46: {  	_ =	shalt  }
0x47: {  	_ =	shalt  }
0x48: {  	_ =	shalt  }
0x49: {  	_ =	shalt  }
0x4a: {  	_ =	shalt  }
0x4b: {  	_ =	shalt  }
0x4c: {  	_ =	shalt  }
0x4d: {  	_ =	shalt  }
0x4e: {  	_ =	shalt  }
0x4f: {  	_ =	shalt  }
0x50: {  	_ =	shalt  }
0x51: {  	_ =	shalt  }
0x52: {  	_ =	shalt  }
0x53: {  	_ =	shalt  }
0x54: {  	_ =	shalt  }
0x55: {  	_ =	shalt  }
0x56: {  	_ =	shalt  }
0x57: {  	_ =	shalt  }
0x58: {  	_ =	shalt  }
0x59: {  	_ =	shalt  }
0x5a: {  	_ =	shalt  }
0x5b: {  	_ =	shalt  }
0x5c: {  	_ =	shalt  }
0x5d: {  	_ =	shalt  }
0x5e: {  	_ =	shalt  }
0x5f: {  	_ =	shalt  }
0x60: {  	_ =	shalt  }
0x61: {  	_ =	shalt  }
0x62: {  	_ =	shalt  }
0x63: {  	_ =	shalt  }
0x64: {  	_ =	shalt  }
0x65: {  	_ =	shalt  }
0x66: {  	_ =	shalt  }
0x67: {  	_ =	shalt  }
0x68: {  	_ =	shalt  }
0x69: {  	_ =	shalt  }
0x6a: {  	_ =	shalt  }
0x6b: {  	_ =	shalt  }
0x6c: {  	_ =	shalt  }
0x6d: {  	_ =	shalt  }
0x6e: {  	_ =	shalt  }
0x6f: {  	_ =	shalt  }
0x70: {  	_ =	shalt  }
0x71: {  	_ =	shalt  }
0x72: {  	_ =	shalt  }
0x73: {  	_ =	shalt  }
0x74: {  	_ =	shalt  }
0x75: {  	_ =	shalt  }
0x76: {  	_ =	shalt  }
0x77: {  	_ =	shalt  }
0x78: {  	_ =	shalt  }
0x79: {  	_ =	shalt  }
0x7a: {  	_ =	shalt  }
0x7b: {  	_ =	shalt  }
0x7c: {  	_ =	shalt  }
0x7d: {  	_ =	shalt  }
0x7e: {  	_ =	shalt  }
0x7f: {  	_ =	shalt  }
0x80: {  	_ =	shalt  }
0x81: {  	_ =	shalt  }
0x82: {  	_ =	shalt  }
0x83: {  	_ =	shalt  }
0x84: {  	_ =	shalt  }
0x85: {  	_ =	shalt  }
0x86: {  	_ =	shalt  }
0x87: {  	_ =	shalt  }
.Lfunc_end0:
.L_simem_size_0:
called_computation_lowered:
.L_overlay_start_0:
0x88: {  	s2 =	sld [smem:$0x3FD9]  }
0x89: {  	s3 =	sld [smem:$0x3FFE];
	_ =	sdelay $0x1  }
0x8a: {  	s1 =	srdreg.scid  }
0x8b: {  	s0 =	sand.u32 $0x1, s1  }
0x8c: {  	s17 =	sshll.u32 s0, $0xA;
	s2 =	sadd.s32 s3, s2  }
0x8d: {  	s2 =	sadd.s32 s2, s17  }
0x8e: {  	[smem:$0x3FC4] =	sst s2  }
0x8f: {  	_ = 	snop  }
0x90: {  	s2 =	sld [smem:$0x3FD0];
	(tm) =	ssettm $0x1  }
0x91: {  	s18 =	sld [smem:$0x3FFB];
	_ =	sdelay $0x3  }
0x92: {  	_ =	strace s18  }
0x93: {  	s3 =	sld [smem:$0x3FFC];
	_ =	sdelay $0x3  }
0x94: {  	_ =	strace s3  }
0x95: {  	s3 =	sld [smem:$0x3FFD];
	_ =	sdelay $0x3  }
0x96: {  	_ =	strace s3  }
0x97: {  	_ =	strace $0x8FFFFFFF  }
0x98: {  	s19 =	sld [smem:$0x3FDB];
	_ =	sdelay $0x1  }
0x99: {  	s4 =	simm.s32 $_scs_section_size  }
0x9a: {  	s5 =	simm.s32 $_size__tile_overlayer_lowered;
	s6 =	simm.s32 $_tile_overlayer_lowered  }
0x9b: {  	s22 =	simm.s32 $0x1BFF;
	s21 =	sshll.u32 s6, $0x1;
	s3 =	sadd.s32 s4, s19  }
0x9c: {  	s7 =	simm.s32 $0x0;
	s20 =	sshll.u32 s5, $0x1;
	s5 =	sadd.s32 s21, s3  }
0x9d: {  	[timem:s7], [sflag:s22] =	dma.local [hbm:s5], s20  }
0x9e: {  	_ =	swait.ge [sflag:s22], s20  }
0x9f: {  	s4 =	ssub.s32 $0x0, s20;
	[sflag:s22] =	ssyncset.done $0x0  }
0xa0: {  	[sflag:s22] =	ssyncadd.s32 s4;
	_ =	sdelay $0x1  }
0xa1: {  	s23 =	simm.s32 $0x1B8B  }
0xa2: {  	_ =	swait.ge [sflag:s23], $0x1  }
0xa3: {  	[sflag:s23] =	ssyncset.done $0x0  }
0xa4: {  	s25 =	simm.s32 $0x1B8E;
	s24 =	sld [smem:$0x3FFE];
	[sflag:s23] =	ssyncadd.s32 $0xFFFFFFFF  }
0xa5: {  	s26 =	simm.s32 $execute0_lowered;
	[smem:$0x3FD2] =	sst s25  }
0xa6: {  	s5 =	sshll.u32 s26, $0x1;
	_ =	strace $0x80000046;
	[dreg:$0x1] =	wrdreg $0xFFFFFFFF  }
0xa7: {  	s28 =	simm.s32 $_size_execute0_lowered;
	s3 =	sadd.s32 s3, s5;
	[dreg:$0x0] =	wrdreg $0x0  }
0xa8: {  	s5 =	sshll.u32 s28, $0x1;
	[dreg:$0x2] =	wrdreg s3  }
0xa9: {  	[dreg:$0x3] =	wrdreg s5  }
0xaa: {  	[dreg:$0x4] =	wrdreg $0xC0  }
0xab: {  	_ =	task [dreg:s7], $0x5FFFF  }
0xac: {  	[dreg:$0x1] =	wrdreg $0xFFFFFFFF  }
0xad: {  	[dreg:$0x0] =	wrdreg $0x60  }
0xae: {  	[dreg:$0x2] =	wrdreg s24  }
0xaf: {  	[dreg:$0x3] =	wrdreg s2  }
0xb0: {  	[dreg:$0x4] =	wrdreg $0x9  }
0xb1: {  	_ =	task.clear_ibuf [dreg:s7], $0x5FFFF;
	_ =	strace $0x90000046  }
0xb2: {  	s29 =	simm.s32 $0x9;
	_ =	strace $0x80000048  }
0xb3: {  	_ =	swait.ge [sflag:s29], $0x1  }
0xb4: {  	[sflag:s29] =	ssyncadd.s32 $0xFFFFFFFF  }
0xb5: {  	_ =	strace $0x90000048  }
0xb6: {  	_ =	sfence  }
0xb7: {  	s30 =	sld [smem:$0x0];
	_ =	sdelay $0x2  }
0xb8: {  	s31 =	sshll.u32 s1, $0xD;
	s1 =	sshrl.u32 s1, $0x2  }
0xb9: {  	s3 =	sand.u32 $0x4000, s31;
	s1 =	sadd.s32 s1, s30  }
0xba: {  	s0 =	sor.u32 s3, s0;
	s1 =	sshll.u32 s1, $0x11  }
0xbb: {  	s0 =	sor.u32 s1, s0  }
0xbc: {  	s0 =	sadd.s32 $0x8F2B, s0  }
0xbd: {  	[sflag:s0] =	ssyncadd.remote.s32 $0x1  }
0xbe: {  	_ =	sfence.sel $0xFFFF  }
0xbf: {  	[dreg:$0x0] =	wrdreg $0xFFFFFFFF;
	(pc) =	sbr.abs _section_cstart, $3  }
0xc0: {  	[dreg:$0x1] =	wrdreg $0xFFFFFFFF  }
0xc1: {  	_ =	task.clear_ibuf [dreg:s7], $0x2FFFF;
	_ =	strace $0x9FFFFFFF  }
0xc2: {  	(tm) =	ssettm $0x7FFFFFFF  }
0xc3: {  	_ =	shalt  }
tec
execute0_lowered:
.L_overlay_start_1:
0x0: {  	(tag) =	ssettag $0x1  }
0x1: {  	s4 =	rddreg [dreg:$0x0];
	s1 =	srdreg.scid  }
0x2: {  	s0 =	stileid.u32;
	s6 =	rddreg [dreg:$0x1];
	s2 =	simm.s32 $0x0  }
0x3: {  	s10 =	simm.s32 $0x48;
	s11 =	simm.s32 $0x120;
	s12 =	simm.s32 $0x1320  }
0x4: {  	s13 =	simm.s32 $0xA20;
	s14 =	simm.s32 $0xD8;
	s15 =	simm.s32 $0x1C20  }
0x5: {  	s16 =	simm.s32 $0x2;
	s5 =	sand.u32 $0x1, s1;
	s3 =	sshll.u32 s0, $0x1  }
0x6: {  	s17 =	simm.s32 $0x0;
	s1 =	rddreg [dreg:$0x2];
	s7 =	sor.u32 s5, s3  }
0x7: {  	[smem:$0x7FF] =	sst s2;
	s5 =	ssub.s32 $0x2, s5;
	s8 =	smul.u32 $0x12, s7  }
0x8: {  	_ =	strace $0x80000047;
	s31 =	sshrl.u32 s5, $0x1;
	s7 =	smul.u32 $0x240, s7  }
0x9: {  	s3 =	sadd.s32 $0x1000, s4;
	s9 =	ssub.s32 s5, s31;
	s8 =	sadd.s32 s8, s4  }
0xa: {  	s6 =	sadd.s32 s6, s7;
	s7 =	smax.u32 s9, $0x1;
	s9 =	simm.s32 $0x1  }
0xb: {  	s4 =	sadd.s32 $0xC00, s8;
	s5 =	sadd.s32 $0x800, s8;
	s8 =	simm.s32 $0x90  }
.LBB2_1:
0xc: {  	[tilespmem:s2], [sflag:$0x1] =	stream.linear.gather [hbm4b:s4+s2], $0x90, $0x38;
	[tilespmem:$0x2520] =	vst v63  }
0xd: {  	_ = 	snop  }
0xe: {  	[tilespmem:s8], [sflag:$0x1] =	stream.linear.gather [hbm4b:s5+s2], $0x90, $0x38;
	[tilespmem:$0x2520] =	vst v63  }
0xf: {  	_ =	swait.ge [sflag:s9], $0x90  }
0x10: {  	[sflag:s9] =	ssyncset.done $0x0  }
0x11: {  	[sflag:s9] =	ssyncadd.s32 $0xFFFFFF70  }
0x12: {  	_ =	swait.ge [sflag:s9], $0x90  }
0x13: {  	[sflag:s9] =	ssyncset.done $0x0  }
0x14: {  	[sflag:s9] =	ssyncadd.s32 $0xFFFFFF70  }
0x15: {  	[tilespmem:s11], [sflag:$0x1] =	stream.indirect.gather [hbm4b:s3+s10], $0x20, s2, s10, $0xb8;
	[tilespmem:$0x2520] =	vst v63  }
0x16: {  	_ = 	snop  }
0x17: {  	[tilespmem:s12], [sflag:$0x1] =	stream.indirect.gather [hbm4b:s3+s10], $0x20, s8, s10, $0xb8;
	[tilespmem:$0x2520] =	vst v63  }
0x18: {  	_ = 	snop  }
0x19: {  	[tilespmem:s13], [sflag:$0x1] =	stream.indirect.gather [hbm4b:s3+s10], $0x20, s10, s10, $0xb8;
	[tilespmem:$0x2520] =	vst v63  }
0x1a: {  	_ = 	snop  }
0x1b: {  	[tilespmem:s15], [sflag:$0x1] =	stream.indirect.gather [hbm4b:s3+s10], $0x20, s14, s10, $0xb8;
	[tilespmem:$0x2520] =	vst v63  }
0x1c: {  	_ =	swait.ge [sflag:s9], $0x900  }
0x1d: {  	[sflag:s9] =	ssyncset.done $0x0  }
0x1e: {  	[sflag:s9] =	ssyncadd.s32 $0xFFFFF700  }
0x1f: {  	_ =	swait.ge [sflag:s9], $0x900  }
0x20: {  	[sflag:s9] =	ssyncset.done $0x0  }
0x21: {  	[sflag:s9] =	ssyncadd.s32 $0xFFFFF700  }
0x22: {  	_ =	swait.ge [sflag:s9], $0x900  }
0x23: {  	[sflag:s9] =	ssyncset.done $0x0  }
0x24: {  	[sflag:s9] =	ssyncadd.s32 $0xFFFFF700  }
0x25: {  	_ =	swait.ge [sflag:s9], $0x900  }
0x26: {  	[sflag:s9] =	ssyncset.done $0x0  }
0x27: {  	s18 =	simm.s32 $0x0;
	[sflag:s9] =	ssyncadd.s32 $0xFFFFF700  }
0x28: {  	v6 =	vld [tilespmem:s18+$0x1320]  }
0x29: {  	v11 =	vld [tilespmem:s18+$0x1330]  }
0x2a: {  	v5 =	vld [tilespmem:s18+$0x1340]  }
0x2b: {  	v4 =	vld [tilespmem:s18+$0x1350]  }
0x2c: {  	v3 =	vld [tilespmem:s18+$0x1360]  }
0x2d: {  	v2 =	vld [tilespmem:s18+$0x1370]  }
0x2e: {  	v1 =	vld [tilespmem:s18+$0x1380]  }
0x2f: {  	v0 =	vld [tilespmem:s18+$0x1390]  }
0x30: {  	v12 =	vld [tilespmem:s18+$0x120]  }
0x31: {  	v13 =	vld [tilespmem:s18+$0x130]  }
0x32: {  	v10 =	vld [tilespmem:s18+$0x140]  }
0x33: {  	v9 =	vld [tilespmem:s18+$0x150]  }
0x34: {  	v8 =	vld [tilespmem:s18+$0x160]  }
0x35: {  	v7 =	vld [tilespmem:s18+$0x170];
	v12 =	vadd.f32 v6, v12  }
0x36: {  	s19 =	simm.s32 $0x200;
	v11 =	vadd.f32 v11, v13;
	v6 =	vld [tilespmem:s18+$0x180]  }
.LBB2_2:
0x37: {  	s20 =	sshra.s32 s19, $0x2;
	p0 =	sne.s32 s19, $0x4600;
	v12 =	vmul.f32 $5.000000000e-01, v12;
	v5 =	vadd.f32 v5, v10;
	v10 =	vld [tilespmem:s18+$0x190]  }
0x38: {  	v13 =	vld [tilespmem:s20+$0x1320];
	v11 =	vmul.f32 $5.000000000e-01, v11;
	v4 =	vadd.f32 v4, v9  }
0x39: {  	v14 =	vld [tilespmem:s20+$0x1330];
	[tilespmem:s18+$0x120] =	vst v12;
	v9 =	vmul.f32 $5.000000000e-01, v5;
	v3 =	vadd.f32 v3, v8  }
0x3a: {  	v5 =	vld [tilespmem:s20+$0x1340];
	[tilespmem:s18+$0x130] =	vst v11;
	v8 =	vmul.f32 $5.000000000e-01, v4;
	v2 =	vadd.f32 v2, v7  }
0x3b: {  	v4 =	vld [tilespmem:s20+$0x1350];
	[tilespmem:s18+$0x140] =	vst v9;
	v7 =	vmul.f32 $5.000000000e-01, v3;
	v1 =	vadd.f32 v1, v6  }
0x3c: {  	v3 =	vld [tilespmem:s20+$0x1360];
	[tilespmem:s18+$0x150] =	vst v8;
	v6 =	vmul.f32 $5.000000000e-01, v2;
	v0 =	vadd.f32 v0, v10  }
0x3d: {  	v2 =	vld [tilespmem:s20+$0x1370];
	[tilespmem:s18+$0x160] =	vst v7;
	v7 =	vmul.f32 $5.000000000e-01, v1  }
0x3e: {  	v1 =	vld [tilespmem:s20+$0x1380];
	[tilespmem:s18+$0x170] =	vst v6;
	v6 =	vmul.f32 $5.000000000e-01, v0  }
0x3f: {  	v0 =	vld [tilespmem:s20+$0x1390];
	[tilespmem:s18+$0x180] =	vst v7  }
0x40: {  	v7 =	vld [tilespmem:s20+$0x120];
	[tilespmem:s18+$0x190] =	vst v6;
	s18 =	smov.u32 s20  }
0x41: {  	v6 =	vld [tilespmem:s18+$0x130]  }
.Ltmp0:
0x42: {  	v10 =	vld [tilespmem:s18+$0x140];
	(pc) =	sbr.rel @p0 .LBB2_2-.Ltmp0, $4  }
0x43: {  	v9 =	vld [tilespmem:s18+$0x150]  }
0x44: {  	v8 =	vld [tilespmem:s18+$0x160]  }
0x45: {  	v12 =	vadd.f32 v13, v7;
	v7 =	vld [tilespmem:s18+$0x170]  }
0x46: {  	s19 =	sadd.s32 $0x200, s19;
	v11 =	vadd.f32 v14, v6;
	v6 =	vld [tilespmem:s18+$0x180]  }
0x47: {  	v12 =	vmul.f32 $5.000000000e-01, v12;
	v5 =	vadd.f32 v5, v10;
	v63 =	vld [tilespmem:s18+$0x190]  }
0x48: {  	v11 =	vmul.f32 $5.000000000e-01, v11;
	v4 =	vadd.f32 v4, v9  }
0x49: {  	[tilespmem:s18+$0x120] =	vst v12;
	v5 =	vmul.f32 $5.000000000e-01, v5;
	v3 =	vadd.f32 v3, v8  }
0x4a: {  	[tilespmem:s18+$0x130] =	vst v11;
	v4 =	vmul.f32 $5.000000000e-01, v4;
	v2 =	vadd.f32 v2, v7  }
0x4b: {  	[tilespmem:s18+$0x140] =	vst v5;
	v3 =	vmul.f32 $5.000000000e-01, v3;
	v1 =	vadd.f32 v1, v6  }
0x4c: {  	[tilespmem:s18+$0x150] =	vst v4;
	v2 =	vmul.f32 $5.000000000e-01, v2;
	v0 =	vadd.f32 v0, v63  }
0x4d: {  	[tilespmem:s18+$0x160] =	vst v3;
	v1 =	vmul.f32 $5.000000000e-01, v1  }
0x4e: {  	s17 =	sadd.s32 $0x1, s17;
	[tilespmem:s18+$0x170] =	vst v2;
	v0 =	vmul.f32 $5.000000000e-01, v0  }
0x4f: {  	p0 =	sne.s32 s17, s7;
	[tilespmem:s18+$0x180] =	vst v1  }
.Ltmp1:
0x50: {  	[tilespmem:s18+$0x190] =	vst v0;
	(pc) =	sbr.rel @p0 .LBB2_1-.Ltmp1, $4  }
0x51: {  	[hbm4b:s6+s2] =	stream.linear.scatter [tilespmem:s11], [sflag:$0x2], $0x1200, $0x38;
	[tilespmem:$0x2520] =	vst v63  }
0x52: {  	_ =	swait.ge [sflag:s16], $0x1200  }
0x53: {  	[sflag:s16] =	ssyncset.done $0x0  }
0x54: {  	[sflag:s16] =	ssyncadd.s32 $0xFFFFEE00  }
0x55: {  	_ =	sfence.sel $0x180000  }
0x56: {  	[bflag:$0x0] =	sbarrier.arrive $0xFFFF  }
0x57: {  	p0 =	sne.s32 s0, $0x0;
	_ =	strace $0x90000047  }
0x58: {  	s0 =	sadd.s32 @!p0 $0x100000, s1;
	[bflag:$0x2] =	sbarrier.arrive $0xFFFF  }
0x59: {  	[sflag:s0] =	ssyncadd.tile.s32 @!p0 $0x1;
	_ =	shalt  }
.Lfunc_end2:
_tile_overlayer_lowered:
.L_overlay_start_2:
0x5a: {  	(tag) =	ssettag $0x2  }
0x5b: {  	s0 =	rddreg [dreg:$0x0];
	s2 =	stileid.u32  }
0x5c: {  	s1 =	rddreg [dreg:$0x1];
	p0 =	sne.s32 s2, $0x0  }
0x5d: {  	s3 =	rddreg [dreg:$0x2];
	[bflag:$0x3] =	sbarrier.arrive $0xFFFF;
	s2 =	simm.s32 @!p0 $0x1C02  }
0x5e: {  	[timem:s3], [sflag:s2] =	dma.local @!p0 [hbm:s0], s1  }
0x5f: {  	s0 =	simm.s32 @!p0 $0x2  }
0x60: {  	_ =	swait.ge @!p0 [sflag:s0], s1  }
0x61: {  	s1 =	ssub.s32 @!p0 $0x0, s1;
	[sflag:s0] =	ssyncset.done @!p0 $0x0  }
0x62: {  	[sflag:s0] =	ssyncadd.s32 @!p0 s1  }
0x63: {  	[bflag:$0x3] =	sbarrier.arrive $0xFFFF  }
0x64: {  	_ =	shalt  }

</sc_bundles>
